<compile_context>
chip_gen: v7x
topology: tpu7x:2x2x1
jax: 0.10.2.dev20260603
libtpu: 0.0.44.dev20260713+nightly
codegen_flags: <defaults>
</compile_context>

<pallas_src>
import functools

import jax
import jax.numpy as jnp
from jax import lax
from jax.experimental import pallas as pl
from jax.experimental.pallas import tpu as pltpu
from jax.experimental.pallas import tpu_sc as plsc

N = 10000
D = 128
E = 320000
NC = 2
NS = 16
EB = 128
NB0 = 128
NB1 = 32
TOTAL_B = NS * (NB0 + NB1)
E_PAD = TOTAL_B * EB
N_PAD = 10112
INIT_ROWS = N_PAD // NS
BN_EPS = 1e-5


def _sc_segment_sum(h, src_r, dst_r, zeros):
    mesh = plsc.VectorSubcoreMesh(
        core_axis_name="c", subcore_axis_name="s",
        num_cores=NC, num_subcores=NS)

    @functools.partial(
        pl.kernel,
        out_type=jax.ShapeDtypeStruct((NC, N_PAD, D), jnp.float32),
        mesh=mesh,
        scratch_types=[
            pltpu.VMEM((NB0, EB), jnp.int32),
            pltpu.VMEM((NB0, EB), jnp.int32),
            pltpu.VMEM((EB, D), jnp.float32),
            pltpu.VMEM_SHARED((N_PAD, D), jnp.float32),
            pltpu.SemaphoreType.DMA,
        ],
    )
    def seg_sum(h_hbm, src_hbm, dst_hbm, z_hbm, out_hbm,
                src_v, dst_v, rows_v, acc, sem):
        c = lax.axis_index("c")
        s = lax.axis_index("s")
        nb = lax.select(c == 0, NB0, NB1)
        pltpu.sync_copy(z_hbm.at[pl.ds(s * INIT_ROWS, INIT_ROWS)],
                        acc.at[pl.ds(s * INIT_ROWS, INIT_ROWS)])

        @pl.when(c == 0)
        def _():
            pltpu.sync_copy(src_hbm.at[pl.ds(s * NB0, NB0)], src_v)
            pltpu.sync_copy(dst_hbm.at[pl.ds(s * NB0, NB0)], dst_v)

        @pl.when(c != 0)
        def _():
            pltpu.sync_copy(src_hbm.at[pl.ds(NS * NB0 + s * NB1, NB1)],
                            src_v.at[pl.ds(0, NB1)])
            pltpu.sync_copy(dst_hbm.at[pl.ds(NS * NB0 + s * NB1, NB1)],
                            dst_v.at[pl.ds(0, NB1)])

        plsc.subcore_barrier()

        def body(j, carry):
            pltpu.async_copy(h_hbm.at[src_v.at[j]], rows_v, sem).wait()
            pltpu.sync_copy(rows_v, acc.at[dst_v.at[j]], add=True)
            return carry

        lax.fori_loop(0, nb, body, 0)
        plsc.subcore_barrier()
        pltpu.sync_copy(acc.at[pl.ds(s * INIT_ROWS, INIT_ROWS)],
                        out_hbm.at[c, pl.ds(s * INIT_ROWS, INIT_ROWS)])

    return seg_sum(h, src_r, dst_r, zeros)


def _tc_tail(h, parts, snorm, W1, b1, W2, b2, gamma, beta):
    def body(h_ref, p_ref, sn_ref, w1_ref, b1_ref, w2_ref, b2_ref,
             g_ref, be_ref, o_ref):
        hv = h_ref[...]
        hh = hv + p_ref[0, :N] + p_ref[1, :N]
        a = jnp.dot(hh, w1_ref[...], preferred_element_type=jnp.float32,
                    precision=lax.Precision.HIGHEST) + b1_ref[...]
        a = jnp.maximum(a, 0.0)
        z = jnp.dot(a, w2_ref[...], preferred_element_type=jnp.float32,
                    precision=lax.Precision.HIGHEST) + b2_ref[...]
        z = z * sn_ref[...]
        mean = jnp.mean(z, axis=0, keepdims=True)
        zc = z - mean
        var = jnp.mean(zc * zc, axis=0, keepdims=True)
        zn = zc * lax.rsqrt(var + BN_EPS) * g_ref[...] + be_ref[...]
        o_ref[...] = hv + jnp.maximum(zn, 0.0)

    return pl.pallas_call(
        body,
        out_shape=jax.ShapeDtypeStruct((N, D), jnp.float32),
    )(h, parts, snorm, W1, b1.reshape(1, D), W2, b2.reshape(1, D),
      gamma.reshape(1, D), beta.reshape(1, D))


def kernel(h, edge_index, snorm_n, W1, b1, W2, b2, gamma, beta):
    src = edge_index[0]
    dst = edge_index[1]
    pad = E_PAD - E
    src_p = jnp.concatenate([src, jnp.zeros((pad,), jnp.int32)])
    dst_p = jnp.concatenate(
        [dst, N + (jnp.arange(pad, dtype=jnp.int32) % (N_PAD - N))])
    src_r = src_p.reshape(TOTAL_B, EB)
    dst_r = dst_p.reshape(TOTAL_B, EB)
    zeros = jnp.zeros((N_PAD, D), jnp.float32)
    parts = _sc_segment_sum(h, src_r, dst_r, zeros)
    return _tc_tail(h, parts, snorm_n, W1, b1, W2, b2, gamma, beta)

# --- scband reference (transcript-rebuilt; emitter-appended) ---
"""Pipeline reference for scband-expander-ginlayer-81149112091150 (READ-ONLY COPY).

The authoritative reference and input builder live on the scoring server;
editing this copy changes nothing except your own understanding.
"""

import jax, jax.numpy as jnp
import numpy as np

N = 10000
E = 320000
D = 128
EPS = 0.0  # init_eps=0, learn_eps=False -> constant buffer
BN_EPS = 1e-5


def setup_inputs(seed: int = 0) -> dict:
    key = jax.random.key(seed)
    ks = jax.random.split(key, 10)
    h = jax.random.normal(ks[0], (N, D), dtype=jnp.float32)
    edge_index = jax.random.randint(ks[1], (2, E), 0, N, dtype=jnp.int32)
    snorm_n = jax.random.uniform(ks[2], (N, 1), dtype=jnp.float32)
    # apply_func MLP params: Linear(D->D) -> ReLU -> Linear(D->D)
    W1 = jax.random.normal(ks[3], (D, D), dtype=jnp.float32) * 0.05
    b1 = jnp.zeros((D,), dtype=jnp.float32)
    W2 = jax.random.normal(ks[4], (D, D), dtype=jnp.float32) * 0.05
    b2 = jnp.zeros((D,), dtype=jnp.float32)
    # BatchNorm1d affine params
    gamma = jnp.ones((D,), dtype=jnp.float32)
    beta = jnp.zeros((D,), dtype=jnp.float32)
    return {"h": h, "edge_index": edge_index, "snorm_n": snorm_n,
            "W1": W1, "b1": b1, "W2": W2, "b2": b2,
            "gamma": gamma, "beta": beta}


def reference(h, edge_index, snorm_n, W1, b1, W2, b2, gamma, beta):
    h_in = h
    src = edge_index[0]
    dst = edge_index[1]
    # update_all(copy_u('h','m'), sum('m','neigh')): gather src feats, scatter-add to dst
    m = jnp.take(h, src, axis=0)
    neigh = jax.ops.segment_sum(m, dst, num_segments=N)
    hh = (1.0 + EPS) * h + neigh
    # apply_func MLP
    hh = jnp.maximum(hh @ W1 + b1, 0.0)
    hh = hh @ W2 + b2
    # graph_norm
    hh = hh * snorm_n
    # batch_norm (training-mode batch statistics)
    mean = jnp.mean(hh, axis=0, keepdims=True)
    var = jnp.var(hh, axis=0, keepdims=True)
    hh = (hh - mean) / jnp.sqrt(var + BN_EPS) * gamma + beta
    # activation (relu)
    hh = jnp.maximum(hh, 0.0)
    # residual (indim == outdim)
    hh = h_in + hh
    # dropout with p=0.0 / eval mode -> identity
    return hh

if __name__ == "__main__":
    import jax
    _d = setup_inputs()
    print(jax.jit(kernel)(*tuple(_d.values())))

</pallas_src>

<mosaic_0001>
#map = affine_map<(d0, d1) -> (0, 0)>
#map1 = affine_map<(d0, d1) -> (0, 0, 0)>
module attributes {stable_mosaic.version = 14 : i64} {
  func.func @seg_sum(%arg0: i32, %arg1: i32, %arg2: memref<10000x128xf32, #tpu.memory_space<hbm>>, %arg3: memref<2560x128xi32, #tpu.memory_space<hbm>>, %arg4: memref<2560x128xi32, #tpu.memory_space<hbm>>, %arg5: memref<10112x128xf32, #tpu.memory_space<hbm>>, %arg6: memref<2x10112x128xf32, #tpu.memory_space<hbm>>, %arg7: memref<128x128xi32, #tpu.memory_space<vmem>>, %arg8: memref<128x128xi32, #tpu.memory_space<vmem>>, %arg9: memref<128x128xf32, #tpu.memory_space<vmem>>, %arg10: memref<10112x128xf32, #tpu.memory_space<vmem_shared>>, %arg11: memref<!tpu.dma_semaphore, #tpu.memory_space<semaphore_mem>>) attributes {dimension_semantics = [#tpu.dimension_semantics<core_parallel>, #tpu.dimension_semantics<subcore_parallel>], iteration_bounds = array<i64: 2, 16>, scalar_prefetch = 0 : i64, scratch_operands = 5 : i64, tpu.core_type = #tpu.core_type<sc_vector_subcore>, window_params = [{transform_indices = #map}, {transform_indices = #map}, {transform_indices = #map}, {transform_indices = #map}, {transform_indices = #map1}]} {
    %eq3A = arith.constant 0 : i32
    %eq3A_0 = arith.cmpi eq, %arg0, %eq3A : i32
    %select_n3A = arith.constant 32 : i32
    %select_n3A_1 = arith.constant 128 : i32
    %select_n3A_2 = arith.select %eq3A_0, %select_n3A_1, %select_n3A : i32
    %mul3A = arith.constant 632 : i32
    %mul3A_3 = arith.muli %arg1, %mul3A : i32
    %mul3A_4 = arith.constant 632 : i32
    %mul3A_5 = arith.muli %arg1, %mul3A_4 : i32
    "tpu.region"() ({
      %run_scoped3A = tpu.sem_alloc : memref<!tpu.dma_semaphore, #tpu.memory_space<semaphore_mem>>
      %dma_start3A = arith.constant 0 : i32
      %dma_start3A_27 = tpu.memref_slice %arg10[%mul3A_5, %dma_start3A] : memref<10112x128xf32, #tpu.memory_space<vmem_shared>> -> memref<632x128xf32, #tpu.memory_space<vmem_shared>>
      %dma_start3A_28 = arith.constant 0 : i32
      %dma_start3A_29 = tpu.memref_slice %arg5[%mul3A_3, %dma_start3A_28] : memref<10112x128xf32, #tpu.memory_space<hbm>> -> memref<632x128xf32, #tpu.memory_space<hbm>>
      tpu.enqueue_dma source(%dma_start3A_29 : memref<632x128xf32, #tpu.memory_space<hbm>>) target(%dma_start3A_27 : memref<632x128xf32, #tpu.memory_space<vmem_shared>>) target_semaphore(%run_scoped3A : memref<!tpu.dma_semaphore, #tpu.memory_space<semaphore_mem>>)
      %dma_wait3A = arith.constant 0 : i32
      %dma_wait3A_30 = tpu.memref_slice %arg10[%mul3A_5, %dma_wait3A] : memref<10112x128xf32, #tpu.memory_space<vmem_shared>> -> memref<632x128xf32, #tpu.memory_space<vmem_shared>>
      %dma_wait3A_31 = arith.constant 0 : i32
      %dma_wait3A_32 = tpu.memref_slice %arg5[%mul3A_3, %dma_wait3A_31] : memref<10112x128xf32, #tpu.memory_space<hbm>> -> memref<632x128xf32, #tpu.memory_space<hbm>>
      tpu.wait_dma2 semaphore(%run_scoped3A : memref<!tpu.dma_semaphore, #tpu.memory_space<semaphore_mem>>) src(%dma_wait3A_32 : memref<632x128xf32, #tpu.memory_space<hbm>>) dst(%dma_wait3A_30 : memref<632x128xf32, #tpu.memory_space<vmem_shared>>)
      tpu.yield
    }) : () -> ()
    %eq3A_6 = arith.constant 0 : i32
    %eq3A_7 = arith.cmpi eq, %arg0, %eq3A_6 : i32
    %convert_element_type3A = arith.extui %eq3A_7 : i1 to i32
    %cond3A = arith.constant 0 : i32
    %cond3A_8 = arith.cmpi ne, %convert_element_type3A, %cond3A : i32
    scf.if %cond3A_8 {
      %mul3A_27 = arith.constant 128 : i32
      %mul3A_28 = arith.muli %arg1, %mul3A_27 : i32
      "tpu.region"() ({
        %run_scoped3A = tpu.sem_alloc : memref<!tpu.dma_semaphore, #tpu.memory_space<semaphore_mem>>
        %dma_start3A = arith.constant 0 : i32
        %dma_start3A_31 = tpu.memref_slice %arg3[%mul3A_28, %dma_start3A] : memref<2560x128xi32, #tpu.memory_space<hbm>> -> memref<128x128xi32, #tpu.memory_space<hbm>>
        %dma_start3A_32 = arith.constant 0 : i32
        %dma_start3A_33 = tpu.memref_slice %arg3[%mul3A_28, %dma_start3A_32] : memref<2560x128xi32, #tpu.memory_space<hbm>> -> memref<128x128xi32, #tpu.memory_space<hbm>>
        tpu.enqueue_dma source(%dma_start3A_33 : memref<128x128xi32, #tpu.memory_space<hbm>>) target(%arg7 : memref<128x128xi32, #tpu.memory_space<vmem>>) target_semaphore(%run_scoped3A : memref<!tpu.dma_semaphore, #tpu.memory_space<semaphore_mem>>)
        %dma_wait3A = arith.constant 0 : i32
        %dma_wait3A_34 = tpu.memref_slice %arg3[%mul3A_28, %dma_wait3A] : memref<2560x128xi32, #tpu.memory_space<hbm>> -> memref<128x128xi32, #tpu.memory_space<hbm>>
        %dma_wait3A_35 = arith.constant 0 : i32
        %dma_wait3A_36 = tpu.memref_slice %arg3[%mul3A_28, %dma_wait3A_35] : memref<2560x128xi32, #tpu.memory_space<hbm>> -> memref<128x128xi32, #tpu.memory_space<hbm>>
        tpu.wait_dma2 semaphore(%run_scoped3A : memref<!tpu.dma_semaphore, #tpu.memory_space<semaphore_mem>>) src(%dma_wait3A_36 : memref<128x128xi32, #tpu.memory_space<hbm>>) dst(%arg7 : memref<128x128xi32, #tpu.memory_space<vmem>>)
        tpu.yield
      }) : () -> ()
      %mul3A_29 = arith.constant 128 : i32
      %mul3A_30 = arith.muli %arg1, %mul3A_29 : i32
      "tpu.region"() ({
        %run_scoped3A = tpu.sem_alloc : memref<!tpu.dma_semaphore, #tpu.memory_space<semaphore_mem>>
        %dma_start3A = arith.constant 0 : i32
        %dma_start3A_31 = tpu.memref_slice %arg4[%mul3A_30, %dma_start3A] : memref<2560x128xi32, #tpu.memory_space<hbm>> -> memref<128x128xi32, #tpu.memory_space<hbm>>
        %dma_start3A_32 = arith.constant 0 : i32
        %dma_start3A_33 = tpu.memref_slice %arg4[%mul3A_30, %dma_start3A_32] : memref<2560x128xi32, #tpu.memory_space<hbm>> -> memref<128x128xi32, #tpu.memory_space<hbm>>
        tpu.enqueue_dma source(%dma_start3A_33 : memref<128x128xi32, #tpu.memory_space<hbm>>) target(%arg8 : memref<128x128xi32, #tpu.memory_space<vmem>>) target_semaphore(%run_scoped3A : memref<!tpu.dma_semaphore, #tpu.memory_space<semaphore_mem>>)
        %dma_wait3A = arith.constant 0 : i32
        %dma_wait3A_34 = tpu.memref_slice %arg4[%mul3A_30, %dma_wait3A] : memref<2560x128xi32, #tpu.memory_space<hbm>> -> memref<128x128xi32, #tpu.memory_space<hbm>>
        %dma_wait3A_35 = arith.constant 0 : i32
        %dma_wait3A_36 = tpu.memref_slice %arg4[%mul3A_30, %dma_wait3A_35] : memref<2560x128xi32, #tpu.memory_space<hbm>> -> memref<128x128xi32, #tpu.memory_space<hbm>>
        tpu.wait_dma2 semaphore(%run_scoped3A : memref<!tpu.dma_semaphore, #tpu.memory_space<semaphore_mem>>) src(%dma_wait3A_36 : memref<128x128xi32, #tpu.memory_space<hbm>>) dst(%arg8 : memref<128x128xi32, #tpu.memory_space<vmem>>)
        tpu.yield
      }) : () -> ()
    } else {
    }
    %ne3A = arith.constant 0 : i32
    %ne3A_9 = arith.cmpi ne, %arg0, %ne3A : i32
    %convert_element_type3A_10 = arith.extui %ne3A_9 : i1 to i32
    %cond3A_11 = arith.constant 0 : i32
    %cond3A_12 = arith.cmpi ne, %convert_element_type3A_10, %cond3A_11 : i32
    scf.if %cond3A_12 {
      %mul3A_27 = arith.constant 32 : i32
      %mul3A_28 = arith.muli %arg1, %mul3A_27 : i32
      %add3A = arith.constant 2048 : i32
      %add3A_29 = arith.addi %add3A, %mul3A_28 : i32
      "tpu.region"() ({
        %run_scoped3A = tpu.sem_alloc : memref<!tpu.dma_semaphore, #tpu.memory_space<semaphore_mem>>
        %dma_start3A = arith.constant 0 : i32
        %dma_start3A_34 = arith.constant 0 : i32
        %dma_start3A_35 = tpu.memref_slice %arg7[%dma_start3A, %dma_start3A_34] : memref<128x128xi32, #tpu.memory_space<vmem>> -> memref<32x128xi32, #tpu.memory_space<vmem>>
        %dma_start3A_36 = arith.constant 0 : i32
        %dma_start3A_37 = tpu.memref_slice %arg3[%add3A_29, %dma_start3A_36] : memref<2560x128xi32, #tpu.memory_space<hbm>> -> memref<32x128xi32, #tpu.memory_space<hbm>>
        %dma_start3A_38 = arith.constant 0 : i32
        %dma_start3A_39 = arith.constant 0 : i32
        %dma_start3A_40 = tpu.memref_slice %arg7[%dma_start3A_38, %dma_start3A_39] : memref<128x128xi32, #tpu.memory_space<vmem>> -> memref<32x128xi32, #tpu.memory_space<vmem>>
        %dma_start3A_41 = arith.constant 0 : i32
        %dma_start3A_42 = tpu.memref_slice %arg3[%add3A_29, %dma_start3A_41] : memref<2560x128xi32, #tpu.memory_space<hbm>> -> memref<32x128xi32, #tpu.memory_space<hbm>>
        tpu.enqueue_dma source(%dma_start3A_42 : memref<32x128xi32, #tpu.memory_space<hbm>>) target(%dma_start3A_40 : memref<32x128xi32, #tpu.memory_space<vmem>>) target_semaphore(%run_scoped3A : memref<!tpu.dma_semaphore, #tpu.memory_space<semaphore_mem>>)
        %dma_wait3A = arith.constant 0 : i32
        %dma_wait3A_43 = arith.constant 0 : i32
        %dma_wait3A_44 = tpu.memref_slice %arg7[%dma_wait3A, %dma_wait3A_43] : memref<128x128xi32, #tpu.memory_space<vmem>> -> memref<32x128xi32, #tpu.memory_space<vmem>>
        %dma_wait3A_45 = arith.constant 0 : i32
        %dma_wait3A_46 = tpu.memref_slice %arg3[%add3A_29, %dma_wait3A_45] : memref<2560x128xi32, #tpu.memory_space<hbm>> -> memref<32x128xi32, #tpu.memory_space<hbm>>
        %dma_wait3A_47 = arith.constant 0 : i32
        %dma_wait3A_48 = arith.constant 0 : i32
        %dma_wait3A_49 = tpu.memref_slice %arg7[%dma_wait3A_47, %dma_wait3A_48] : memref<128x128xi32, #tpu.memory_space<vmem>> -> memref<32x128xi32, #tpu.memory_space<vmem>>
        %dma_wait3A_50 = arith.constant 0 : i32
        %dma_wait3A_51 = tpu.memref_slice %arg3[%add3A_29, %dma_wait3A_50] : memref<2560x128xi32, #tpu.memory_space<hbm>> -> memref<32x128xi32, #tpu.memory_space<hbm>>
        tpu.wait_dma2 semaphore(%run_scoped3A : memref<!tpu.dma_semaphore, #tpu.memory_space<semaphore_mem>>) src(%dma_wait3A_51 : memref<32x128xi32, #tpu.memory_space<hbm>>) dst(%dma_wait3A_49 : memref<32x128xi32, #tpu.memory_space<vmem>>)
        tpu.yield
      }) : () -> ()
      %mul3A_30 = arith.constant 32 : i32
      %mul3A_31 = arith.muli %arg1, %mul3A_30 : i32
      %add3A_32 = arith.constant 2048 : i32
      %add3A_33 = arith.addi %add3A_32, %mul3A_31 : i32
      "tpu.region"() ({
        %run_scoped3A = tpu.sem_alloc : memref<!tpu.dma_semaphore, #tpu.memory_space<semaphore_mem>>
        %dma_start3A = arith.constant 0 : i32
        %dma_start3A_34 = arith.constant 0 : i32
        %dma_start3A_35 = tpu.memref_slice %arg8[%dma_start3A, %dma_start3A_34] : memref<128x128xi32, #tpu.memory_space<vmem>> -> memref<32x128xi32, #tpu.memory_space<vmem>>
        %dma_start3A_36 = arith.constant 0 : i32
        %dma_start3A_37 = tpu.memref_slice %arg4[%add3A_33, %dma_start3A_36] : memref<2560x128xi32, #tpu.memory_space<hbm>> -> memref<32x128xi32, #tpu.memory_space<hbm>>
        %dma_start3A_38 = arith.constant 0 : i32
        %dma_start3A_39 = arith.constant 0 : i32
        %dma_start3A_40 = tpu.memref_slice %arg8[%dma_start3A_38, %dma_start3A_39] : memref<128x128xi32, #tpu.memory_space<vmem>> -> memref<32x128xi32, #tpu.memory_space<vmem>>
        %dma_start3A_41 = arith.constant 0 : i32
        %dma_start3A_42 = tpu.memref_slice %arg4[%add3A_33, %dma_start3A_41] : memref<2560x128xi32, #tpu.memory_space<hbm>> -> memref<32x128xi32, #tpu.memory_space<hbm>>
        tpu.enqueue_dma source(%dma_start3A_42 : memref<32x128xi32, #tpu.memory_space<hbm>>) target(%dma_start3A_40 : memref<32x128xi32, #tpu.memory_space<vmem>>) target_semaphore(%run_scoped3A : memref<!tpu.dma_semaphore, #tpu.memory_space<semaphore_mem>>)
        %dma_wait3A = arith.constant 0 : i32
        %dma_wait3A_43 = arith.constant 0 : i32
        %dma_wait3A_44 = tpu.memref_slice %arg8[%dma_wait3A, %dma_wait3A_43] : memref<128x128xi32, #tpu.memory_space<vmem>> -> memref<32x128xi32, #tpu.memory_space<vmem>>
        %dma_wait3A_45 = arith.constant 0 : i32
        %dma_wait3A_46 = tpu.memref_slice %arg4[%add3A_33, %dma_wait3A_45] : memref<2560x128xi32, #tpu.memory_space<hbm>> -> memref<32x128xi32, #tpu.memory_space<hbm>>
        %dma_wait3A_47 = arith.constant 0 : i32
        %dma_wait3A_48 = arith.constant 0 : i32
        %dma_wait3A_49 = tpu.memref_slice %arg8[%dma_wait3A_47, %dma_wait3A_48] : memref<128x128xi32, #tpu.memory_space<vmem>> -> memref<32x128xi32, #tpu.memory_space<vmem>>
        %dma_wait3A_50 = arith.constant 0 : i32
        %dma_wait3A_51 = tpu.memref_slice %arg4[%add3A_33, %dma_wait3A_50] : memref<2560x128xi32, #tpu.memory_space<hbm>> -> memref<32x128xi32, #tpu.memory_space<hbm>>
        tpu.wait_dma2 semaphore(%run_scoped3A : memref<!tpu.dma_semaphore, #tpu.memory_space<semaphore_mem>>) src(%dma_wait3A_51 : memref<32x128xi32, #tpu.memory_space<hbm>>) dst(%dma_wait3A_49 : memref<32x128xi32, #tpu.memory_space<vmem>>)
        tpu.yield
      }) : () -> ()
    } else {
    }
    %barrier3A = arith.constant 0 : index
    tpu.barrier barrier_id(%barrier3A)
    %while3A = arith.constant 0 : i32
    %while3A_13 = arith.constant 0 : i32
    %while3A_14 = arith.subi %select_n3A_2, %while3A_13 : i32
    %while3A_15 = arith.addi %while3A_13, %while3A_14 : i32
    %while3A_16 = arith.constant 1 : i32
    %while3A_17 = arith.divsi %while3A_14, %while3A_16 : i32
    %while3A_18 = arith.muli %while3A_17, %while3A_16 : i32
    %while3A_19 = arith.addi %while3A_13, %while3A_18 : i32
    %while3A_20 = arith.constant 1 : i32
    scf.for %while3A_27 = %while3A_13 to %while3A_19 step %while3A_20  : i32 {
      %dma_start3A = arith.constant 0 : i32
      %dma_start3A_28 = tpu.memref_slice %arg7[%while3A_27, %dma_start3A] : memref<128x128xi32, #tpu.memory_space<vmem>> -> memref<1x128xi32, #tpu.memory_space<vmem>>
      %dma_start3A_29 = tpu.memref_squeeze %dma_start3A_28 : memref<1x128xi32, #tpu.memory_space<vmem>> -> memref<128xi32, #tpu.memory_space<vmem>>
      %dma_start3A_30 = arith.constant 0 : i32
      %dma_start3A_31 = arith.constant 0 : i32
      %dma_start3A_32 = tpu.memref_slice %arg2[%dma_start3A_30, %dma_start3A_31] : memref<10000x128xf32, #tpu.memory_space<hbm>> -> memref<10000x128xf32, #tpu.memory_space<hbm>>
      tpu.enqueue_indirect_dma source(%dma_start3A_32 : memref<10000x128xf32, #tpu.memory_space<hbm>>) target(%arg9 : memref<128x128xf32, #tpu.memory_space<vmem>>) offsets(%dma_start3A_29 : memref<128xi32, #tpu.memory_space<vmem>>) semaphore(%arg11 : memref<!tpu.dma_semaphore, #tpu.memory_space<semaphore_mem>>)
      %dma_wait3A = arith.constant 0 : i32
      %dma_wait3A_33 = tpu.memref_slice %arg7[%while3A_27, %dma_wait3A] : memref<128x128xi32, #tpu.memory_space<vmem>> -> memref<1x128xi32, #tpu.memory_space<vmem>>
      %dma_wait3A_34 = tpu.memref_squeeze %dma_wait3A_33 : memref<1x128xi32, #tpu.memory_space<vmem>> -> memref<128xi32, #tpu.memory_space<vmem>>
      %dma_wait3A_35 = arith.constant 0 : i32
      %dma_wait3A_36 = arith.constant 0 : i32
      %dma_wait3A_37 = tpu.memref_slice %arg2[%dma_wait3A_35, %dma_wait3A_36] : memref<10000x128xf32, #tpu.memory_space<hbm>> -> memref<10000x128xf32, #tpu.memory_space<hbm>>
      tpu.wait_indirect_dma semaphore(%arg11 : memref<!tpu.dma_semaphore, #tpu.memory_space<semaphore_mem>>) src(%dma_wait3A_37 : memref<10000x128xf32, #tpu.memory_space<hbm>>) dst(%arg9 : memref<128x128xf32, #tpu.memory_space<vmem>>)
      "tpu.region"() ({
        %run_scoped3A = tpu.sem_alloc : memref<!tpu.dma_semaphore, #tpu.memory_space<semaphore_mem>>
        %dma_start3A_38 = arith.constant 0 : i32
        %dma_start3A_39 = tpu.memref_slice %arg8[%while3A_27, %dma_start3A_38] : memref<128x128xi32, #tpu.memory_space<vmem>> -> memref<1x128xi32, #tpu.memory_space<vmem>>
        %dma_start3A_40 = tpu.memref_squeeze %dma_start3A_39 : memref<1x128xi32, #tpu.memory_space<vmem>> -> memref<128xi32, #tpu.memory_space<vmem>>
        %dma_start3A_41 = arith.constant 0 : i32
        %dma_start3A_42 = arith.constant 0 : i32
        %dma_start3A_43 = tpu.memref_slice %arg10[%dma_start3A_41, %dma_start3A_42] : memref<10112x128xf32, #tpu.memory_space<vmem_shared>> -> memref<10112x128xf32, #tpu.memory_space<vmem_shared>>
        tpu.enqueue_indirect_dma source(%arg9 : memref<128x128xf32, #tpu.memory_space<vmem>>) target(%dma_start3A_43 : memref<10112x128xf32, #tpu.memory_space<vmem_shared>>) offsets(%dma_start3A_40 : memref<128xi32, #tpu.memory_space<vmem>>) semaphore(%run_scoped3A : memref<!tpu.dma_semaphore, #tpu.memory_space<semaphore_mem>>) {add = true}
        %dma_wait3A_44 = arith.constant 0 : i32
        %dma_wait3A_45 = tpu.memref_slice %arg8[%while3A_27, %dma_wait3A_44] : memref<128x128xi32, #tpu.memory_space<vmem>> -> memref<1x128xi32, #tpu.memory_space<vmem>>
        %dma_wait3A_46 = tpu.memref_squeeze %dma_wait3A_45 : memref<1x128xi32, #tpu.memory_space<vmem>> -> memref<128xi32, #tpu.memory_space<vmem>>
        %dma_wait3A_47 = arith.constant 0 : i32
        %dma_wait3A_48 = arith.constant 0 : i32
        %dma_wait3A_49 = tpu.memref_slice %arg10[%dma_wait3A_47, %dma_wait3A_48] : memref<10112x128xf32, #tpu.memory_space<vmem_shared>> -> memref<10112x128xf32, #tpu.memory_space<vmem_shared>>
        tpu.wait_indirect_dma semaphore(%run_scoped3A : memref<!tpu.dma_semaphore, #tpu.memory_space<semaphore_mem>>) src(%arg9 : memref<128x128xf32, #tpu.memory_space<vmem>>) dst(%dma_wait3A_49 : memref<10112x128xf32, #tpu.memory_space<vmem_shared>>)
        tpu.yield
      }) : () -> ()
    }
    %while3A_21 = arith.constant 1 : i32
    scf.for %while3A_27 = %while3A_19 to %while3A_15 step %while3A_21  : i32 {
      %dma_start3A = arith.constant 0 : i32
      %dma_start3A_28 = tpu.memref_slice %arg7[%while3A_27, %dma_start3A] : memref<128x128xi32, #tpu.memory_space<vmem>> -> memref<1x128xi32, #tpu.memory_space<vmem>>
      %dma_start3A_29 = tpu.memref_squeeze %dma_start3A_28 : memref<1x128xi32, #tpu.memory_space<vmem>> -> memref<128xi32, #tpu.memory_space<vmem>>
      %dma_start3A_30 = arith.constant 0 : i32
      %dma_start3A_31 = arith.constant 0 : i32
      %dma_start3A_32 = tpu.memref_slice %arg2[%dma_start3A_30, %dma_start3A_31] : memref<10000x128xf32, #tpu.memory_space<hbm>> -> memref<10000x128xf32, #tpu.memory_space<hbm>>
      tpu.enqueue_indirect_dma source(%dma_start3A_32 : memref<10000x128xf32, #tpu.memory_space<hbm>>) target(%arg9 : memref<128x128xf32, #tpu.memory_space<vmem>>) offsets(%dma_start3A_29 : memref<128xi32, #tpu.memory_space<vmem>>) semaphore(%arg11 : memref<!tpu.dma_semaphore, #tpu.memory_space<semaphore_mem>>)
      %dma_wait3A = arith.constant 0 : i32
      %dma_wait3A_33 = tpu.memref_slice %arg7[%while3A_27, %dma_wait3A] : memref<128x128xi32, #tpu.memory_space<vmem>> -> memref<1x128xi32, #tpu.memory_space<vmem>>
      %dma_wait3A_34 = tpu.memref_squeeze %dma_wait3A_33 : memref<1x128xi32, #tpu.memory_space<vmem>> -> memref<128xi32, #tpu.memory_space<vmem>>
      %dma_wait3A_35 = arith.constant 0 : i32
      %dma_wait3A_36 = arith.constant 0 : i32
      %dma_wait3A_37 = tpu.memref_slice %arg2[%dma_wait3A_35, %dma_wait3A_36] : memref<10000x128xf32, #tpu.memory_space<hbm>> -> memref<10000x128xf32, #tpu.memory_space<hbm>>
      tpu.wait_indirect_dma semaphore(%arg11 : memref<!tpu.dma_semaphore, #tpu.memory_space<semaphore_mem>>) src(%dma_wait3A_37 : memref<10000x128xf32, #tpu.memory_space<hbm>>) dst(%arg9 : memref<128x128xf32, #tpu.memory_space<vmem>>)
      "tpu.region"() ({
        %run_scoped3A = tpu.sem_alloc : memref<!tpu.dma_semaphore, #tpu.memory_space<semaphore_mem>>
        %dma_start3A_38 = arith.constant 0 : i32
        %dma_start3A_39 = tpu.memref_slice %arg8[%while3A_27, %dma_start3A_38] : memref<128x128xi32, #tpu.memory_space<vmem>> -> memref<1x128xi32, #tpu.memory_space<vmem>>
        %dma_start3A_40 = tpu.memref_squeeze %dma_start3A_39 : memref<1x128xi32, #tpu.memory_space<vmem>> -> memref<128xi32, #tpu.memory_space<vmem>>
        %dma_start3A_41 = arith.constant 0 : i32
        %dma_start3A_42 = arith.constant 0 : i32
        %dma_start3A_43 = tpu.memref_slice %arg10[%dma_start3A_41, %dma_start3A_42] : memref<10112x128xf32, #tpu.memory_space<vmem_shared>> -> memref<10112x128xf32, #tpu.memory_space<vmem_shared>>
        tpu.enqueue_indirect_dma source(%arg9 : memref<128x128xf32, #tpu.memory_space<vmem>>) target(%dma_start3A_43 : memref<10112x128xf32, #tpu.memory_space<vmem_shared>>) offsets(%dma_start3A_40 : memref<128xi32, #tpu.memory_space<vmem>>) semaphore(%run_scoped3A : memref<!tpu.dma_semaphore, #tpu.memory_space<semaphore_mem>>) {add = true}
        %dma_wait3A_44 = arith.constant 0 : i32
        %dma_wait3A_45 = tpu.memref_slice %arg8[%while3A_27, %dma_wait3A_44] : memref<128x128xi32, #tpu.memory_space<vmem>> -> memref<1x128xi32, #tpu.memory_space<vmem>>
        %dma_wait3A_46 = tpu.memref_squeeze %dma_wait3A_45 : memref<1x128xi32, #tpu.memory_space<vmem>> -> memref<128xi32, #tpu.memory_space<vmem>>
        %dma_wait3A_47 = arith.constant 0 : i32
        %dma_wait3A_48 = arith.constant 0 : i32
        %dma_wait3A_49 = tpu.memref_slice %arg10[%dma_wait3A_47, %dma_wait3A_48] : memref<10112x128xf32, #tpu.memory_space<vmem_shared>> -> memref<10112x128xf32, #tpu.memory_space<vmem_shared>>
        tpu.wait_indirect_dma semaphore(%run_scoped3A : memref<!tpu.dma_semaphore, #tpu.memory_space<semaphore_mem>>) src(%arg9 : memref<128x128xf32, #tpu.memory_space<vmem>>) dst(%dma_wait3A_49 : memref<10112x128xf32, #tpu.memory_space<vmem_shared>>)
        tpu.yield
      }) : () -> ()
    }
    %barrier3A_22 = arith.constant 0 : index
    tpu.barrier barrier_id(%barrier3A_22)
    %mul3A_23 = arith.constant 632 : i32
    %mul3A_24 = arith.muli %arg1, %mul3A_23 : i32
    %mul3A_25 = arith.constant 632 : i32
    %mul3A_26 = arith.muli %arg1, %mul3A_25 : i32
    "tpu.region"() ({
      %run_scoped3A = tpu.sem_alloc : memref<!tpu.dma_semaphore, #tpu.memory_space<semaphore_mem>>
      %dma_start3A = arith.constant 0 : i32
      %dma_start3A_27 = tpu.memref_slice %arg6[%arg0, %mul3A_26, %dma_start3A] : memref<2x10112x128xf32, #tpu.memory_space<hbm>> -> memref<1x632x128xf32, #tpu.memory_space<hbm>>
      %dma_start3A_28 = tpu.memref_squeeze %dma_start3A_27 : memref<1x632x128xf32, #tpu.memory_space<hbm>> -> memref<632x128xf32, #tpu.memory_space<hbm>>
      %dma_start3A_29 = arith.constant 0 : i32
      %dma_start3A_30 = tpu.memref_slice %arg10[%mul3A_24, %dma_start3A_29] : memref<10112x128xf32, #tpu.memory_space<vmem_shared>> -> memref<632x128xf32, #tpu.memory_space<vmem_shared>>
      tpu.enqueue_dma source(%dma_start3A_30 : memref<632x128xf32, #tpu.memory_space<vmem_shared>>) target(%dma_start3A_28 : memref<632x128xf32, #tpu.memory_space<hbm>>) target_semaphore(%run_scoped3A : memref<!tpu.dma_semaphore, #tpu.memory_space<semaphore_mem>>)
      %dma_wait3A = arith.constant 0 : i32
      %dma_wait3A_31 = tpu.memref_slice %arg6[%arg0, %mul3A_26, %dma_wait3A] : memref<2x10112x128xf32, #tpu.memory_space<hbm>> -> memref<1x632x128xf32, #tpu.memory_space<hbm>>
      %dma_wait3A_32 = tpu.memref_squeeze %dma_wait3A_31 : memref<1x632x128xf32, #tpu.memory_space<hbm>> -> memref<632x128xf32, #tpu.memory_space<hbm>>
      %dma_wait3A_33 = arith.constant 0 : i32
      %dma_wait3A_34 = tpu.memref_slice %arg10[%mul3A_24, %dma_wait3A_33] : memref<10112x128xf32, #tpu.memory_space<vmem_shared>> -> memref<632x128xf32, #tpu.memory_space<vmem_shared>>
      tpu.wait_dma2 semaphore(%run_scoped3A : memref<!tpu.dma_semaphore, #tpu.memory_space<semaphore_mem>>) src(%dma_wait3A_34 : memref<632x128xf32, #tpu.memory_space<vmem_shared>>) dst(%dma_wait3A_32 : memref<632x128xf32, #tpu.memory_space<hbm>>)
      tpu.yield
    }) : () -> ()
    return
  }
}

module attributes {stable_mosaic.version = 14 : i64} {
  func.func @body(%arg0: memref<10000x128xf32, #tpu.memory_space<vmem>>, %arg1: memref<2x10112x128xf32, #tpu.memory_space<vmem>>, %arg2: memref<10000x1xf32, #tpu.memory_space<vmem>>, %arg3: memref<128x128xf32, #tpu.memory_space<vmem>>, %arg4: memref<1x128xf32, #tpu.memory_space<vmem>>, %arg5: memref<128x128xf32, #tpu.memory_space<vmem>>, %arg6: memref<1x128xf32, #tpu.memory_space<vmem>>, %arg7: memref<1x128xf32, #tpu.memory_space<vmem>>, %arg8: memref<1x128xf32, #tpu.memory_space<vmem>>, %arg9: memref<10000x128xf32, #tpu.memory_space<vmem>>) attributes {dimension_semantics = [], scalar_prefetch = 0 : i64, scratch_operands = 0 : i64, tpu.core_type = #tpu.core_type<tc>} {
    %get3A = arith.constant 0 : index
    %get3A_0 = arith.constant 0 : index
    %get3A_1 = vector.load %arg0[%get3A, %get3A_0] : memref<10000x128xf32, #tpu.memory_space<vmem>>, vector<10000x128xf32>
    %get3A_2 = arith.constant 0 : index
    %get3A_3 = arith.constant 0 : index
    %get3A_4 = arith.constant 0 : index
    %get3A_5 = vector.load %arg1[%get3A_2, %get3A_3, %get3A_4] : memref<2x10112x128xf32, #tpu.memory_space<vmem>>, vector<1x10000x128xf32>
    %get3A_6 = vector.shape_cast %get3A_5 : vector<1x10000x128xf32> to vector<10000x128xf32>
    %add3A = arith.addf %get3A_1, %get3A_6 : vector<10000x128xf32>
    %get3A_7 = arith.constant 1 : index
    %get3A_8 = arith.constant 0 : index
    %get3A_9 = arith.constant 0 : index
    %get3A_10 = vector.load %arg1[%get3A_7, %get3A_8, %get3A_9] : memref<2x10112x128xf32, #tpu.memory_space<vmem>>, vector<1x10000x128xf32>
    %get3A_11 = vector.shape_cast %get3A_10 : vector<1x10000x128xf32> to vector<10000x128xf32>
    %add3A_12 = arith.addf %add3A, %get3A_11 : vector<10000x128xf32>
    %get3A_13 = arith.constant 0 : index
    %get3A_14 = arith.constant 0 : index
    %get3A_15 = vector.load %arg3[%get3A_13, %get3A_14] : memref<128x128xf32, #tpu.memory_space<vmem>>, vector<128x128xf32>
    %dot_general3A = arith.constant dense<0.000000e+00> : vector<10000x128xf32>
    %dot_general3A_16 = tpu.matmul %add3A_12, %get3A_15, %dot_general3A {dimension_numbers = #tpu.dot_dimension_numbers<[1], [0], [0], [1], [0, 0, 1, 1], [], []>, precision = #tpu.contract_precision<fp32>, transpose_lhs_hint = false} : vector<10000x128xf32>, vector<128x128xf32>, vector<10000x128xf32> -> vector<10000x128xf32>
    %get3A_17 = arith.constant 0 : index
    %get3A_18 = arith.constant 0 : index
    %get3A_19 = vector.load %arg4[%get3A_17, %get3A_18] : memref<1x128xf32, #tpu.memory_space<vmem>>, vector<1x128xf32>
    %add3A_20 = vector.broadcast %get3A_19 : vector<1x128xf32> to vector<10000x128xf32>
    %add3A_21 = arith.addf %dot_general3A_16, %add3A_20 : vector<10000x128xf32>
    %max3A = arith.constant 0.000000e+00 : f32
    %max3A_22 = vector.broadcast %max3A : f32 to vector<10000x128xf32>
    %max3A_23 = arith.maximumf %add3A_21, %max3A_22 : vector<10000x128xf32>
    %get3A_24 = arith.constant 0 : index
    %get3A_25 = arith.constant 0 : index
    %get3A_26 = vector.load %arg5[%get3A_24, %get3A_25] : memref<128x128xf32, #tpu.memory_space<vmem>>, vector<128x128xf32>
    %dot_general3A_27 = arith.constant dense<0.000000e+00> : vector<10000x128xf32>
    %dot_general3A_28 = tpu.matmul %max3A_23, %get3A_26, %dot_general3A_27 {dimension_numbers = #tpu.dot_dimension_numbers<[1], [0], [0], [1], [0, 0, 1, 1], [], []>, precision = #tpu.contract_precision<fp32>, transpose_lhs_hint = false} : vector<10000x128xf32>, vector<128x128xf32>, vector<10000x128xf32> -> vector<10000x128xf32>
    %get3A_29 = arith.constant 0 : index
    %get3A_30 = arith.constant 0 : index
    %get3A_31 = vector.load %arg6[%get3A_29, %get3A_30] : memref<1x128xf32, #tpu.memory_space<vmem>>, vector<1x128xf32>
    %add3A_32 = vector.broadcast %get3A_31 : vector<1x128xf32> to vector<10000x128xf32>
    %add3A_33 = arith.addf %dot_general3A_28, %add3A_32 : vector<10000x128xf32>
    %get3A_34 = arith.constant 0 : index
    %get3A_35 = arith.constant 0 : index
    %get3A_36 = vector.load %arg2[%get3A_34, %get3A_35] : memref<10000x1xf32, #tpu.memory_space<vmem>>, vector<10000x1xf32>
    %mul3A = vector.broadcast %get3A_36 : vector<10000x1xf32> to vector<10000x128xf32>
    %mul3A_37 = arith.mulf %add3A_33, %mul3A : vector<10000x128xf32>
    %reduce_sum3A = arith.constant dense<0.000000e+00> : vector<128xf32>
    %reduce_sum3A_38 = vector.multi_reduction <add>, %mul3A_37, %reduce_sum3A [0] : vector<10000x128xf32> to vector<128xf32>
    %broadcast_in_dim3A = vector.shape_cast %reduce_sum3A_38 : vector<128xf32> to vector<1x128xf32>
    %div3A = arith.constant 1.000000e+04 : f32
    %div3A_39 = vector.broadcast %div3A : f32 to vector<1x128xf32>
    %div3A_40 = arith.divf %broadcast_in_dim3A, %div3A_39 : vector<1x128xf32>
    %sub3A = vector.broadcast %div3A_40 : vector<1x128xf32> to vector<10000x128xf32>
    %sub3A_41 = arith.subf %mul3A_37, %sub3A : vector<10000x128xf32>
    %mul3A_42 = arith.mulf %sub3A_41, %sub3A_41 : vector<10000x128xf32>
    %reduce_sum3A_43 = arith.constant dense<0.000000e+00> : vector<128xf32>
    %reduce_sum3A_44 = vector.multi_reduction <add>, %mul3A_42, %reduce_sum3A_43 [0] : vector<10000x128xf32> to vector<128xf32>
    %broadcast_in_dim3A_45 = vector.shape_cast %reduce_sum3A_44 : vector<128xf32> to vector<1x128xf32>
    %div3A_46 = arith.constant 1.000000e+04 : f32
    %div3A_47 = vector.broadcast %div3A_46 : f32 to vector<1x128xf32>
    %div3A_48 = arith.divf %broadcast_in_dim3A_45, %div3A_47 : vector<1x128xf32>
    %add3A_49 = arith.constant 9.99999974E-6 : f32
    %add3A_50 = vector.broadcast %add3A_49 : f32 to vector<1x128xf32>
    %add3A_51 = arith.addf %div3A_48, %add3A_50 : vector<1x128xf32>
    %rsqrt3A = math.rsqrt %add3A_51 : vector<1x128xf32>
    %mul3A_52 = vector.broadcast %rsqrt3A : vector<1x128xf32> to vector<10000x128xf32>
    %mul3A_53 = arith.mulf %sub3A_41, %mul3A_52 : vector<10000x128xf32>
    %get3A_54 = arith.constant 0 : index
    %get3A_55 = arith.constant 0 : index
    %get3A_56 = vector.load %arg7[%get3A_54, %get3A_55] : memref<1x128xf32, #tpu.memory_space<vmem>>, vector<1x128xf32>
    %mul3A_57 = vector.broadcast %get3A_56 : vector<1x128xf32> to vector<10000x128xf32>
    %mul3A_58 = arith.mulf %mul3A_53, %mul3A_57 : vector<10000x128xf32>
    %get3A_59 = arith.constant 0 : index
    %get3A_60 = arith.constant 0 : index
    %get3A_61 = vector.load %arg8[%get3A_59, %get3A_60] : memref<1x128xf32, #tpu.memory_space<vmem>>, vector<1x128xf32>
    %add3A_62 = vector.broadcast %get3A_61 : vector<1x128xf32> to vector<10000x128xf32>
    %add3A_63 = arith.addf %mul3A_58, %add3A_62 : vector<10000x128xf32>
    %max3A_64 = arith.constant 0.000000e+00 : f32
    %max3A_65 = vector.broadcast %max3A_64 : f32 to vector<10000x128xf32>
    %max3A_66 = arith.maximumf %add3A_63, %max3A_65 : vector<10000x128xf32>
    %add3A_67 = arith.addf %get3A_1, %max3A_66 : vector<10000x128xf32>
    %swap3A = arith.constant 0 : index
    %swap3A_68 = arith.constant 0 : index
    %swap3A_69 = vector.load %arg9[%swap3A, %swap3A_68] : memref<10000x128xf32, #tpu.memory_space<vmem>>, vector<10000x128xf32>
    tpu.vector_store %arg9[%swap3A, %swap3A_68], %add3A_67 {strides = array<i32>} : memref<10000x128xf32, #tpu.memory_space<vmem>>, vector<10000x128xf32>,
    return
  }
}

</mosaic_0001>

<sc_bundles>
// kernel: kernel.4.cloned.1.call-start
scs
__scs_entry_jumppad:
0x0: {  	(pc) =	sbr.rel $0x88, $3  }
0x1: {  	(tag) =	ssettag $0x0;
	lr =	simm.s32 $0x1  }
0x2: {  	[smem:$0x3F98] =	sst lr;
	_ =	strace $0xD0000000  }
0x3: {  	_ = 	snop  }
0x4: {  	_ = 	snop  }
0x5: {  	_ = 	snop  }
0x6: {  	_ = 	snop  }
0x7: {  	_ = 	snop  }
__scs_overlays_trampoline_lowered:
0x8: {  	[smem:$0x3FA7] =	sst s0  }
0x9: {  	[smem:$0x3FA8] =	sst s1  }
0xa: {  	[smem:$0x3FA9] =	sst s2  }
0xb: {  	[smem:$0x3FAA] =	sst s3  }
0xc: {  	[smem:$0x3FAB] =	sst s4  }
0xd: {  	[smem:$0x3FAC] =	sst s5  }
0xe: {  	[smem:$0x3FAD] =	sst s6  }
0xf: {  	[smem:$0x3FAE] =	sst s7  }
0x10: {  	[smem:$0x3FAF] =	sst s8  }
0x11: {  	[smem:$0x3FB0] =	sst s9;
	s0 =	simm.s32 @!p0 $0x0  }
0x12: {  	s1 =	sld [smem:$0x3F96];
	s0 =	simm.s32 @p0 $0x1  }
0x13: {  	[smem:$0x3FB1] =	sst s0;
	s0 =	simm.s32 @!p1 $0x0  }
0x14: {  	s2 =	sld [smem:$0x3F95];
	s0 =	simm.s32 @p1 $0x1  }
0x15: {  	[smem:$0x3FB2] =	sst s0;
	s0 =	simm.s32 @!p2 $0x0  }
0x16: {  	s3 =	sld [smem:$0x3FDB];
	s0 =	simm.s32 @p2 $0x1  }
0x17: {  	s4 =	simm.s32 $0x1BF5;
	[smem:$0x3FB4] =	sst s0  }
0x18: {  	s0 =	sld [smem:$0x3F97];
	_ =	swait.ge [sflag:s4], $0x0  }
0x19: {  	s7 =	sld [smem:$0x3F98]  }
0x1a: {  	s8 =	sadd.s32 $0xFFFFE003, lr  }
0x1b: {  	s9 =	sadd.s32 $0xFFFFFEF7, lr;
	s5 =	simm.s32 $0xFFFFFFFF;
	p2 =	slt.u32 s8, $0xFFFFF086  }
0x1c: {  	p1 =	slt.u32 s9, $0xF7A;
	s5 =	simm.s32 @!p2 $0x0  }
0x1d: {  	s5 =	simm.s32 @p1 $0x1;
	p0 =	seq.s32 s7, s2  }
0x1e: {  	s7 =	smul.u32 @!p0 $0xF7A, s2;
	p2 =	seq.s32 @!p0 s5, $0x0  }
0x1f: {  	s9 =	smul.u32 $0xF7A, s1;
	s8 =	simm.s32 @!p0 $0x1BF5;
	p2 =	por !p2, p0  }
0x20: {  	[sflag:s8] =	ssyncset.s32 @!p0 $0xFFFFF086;
	s6 =	sadd.s32 @!p0 s3, s7;
	s7 =	simm.s32 @!p0 $0x108  }
0x21: {  	s3 =	sadd.s32 s3, s9;
	s6 =	sadd.s32 @!p0 $0x88, s6;
	s7 =	simm.s32 @p2 $0x1082  }
0x22: {  	[simem:s7], [sflag:s8] =	dma.local @!p0 [hbm:s6], $0xF7A  }
0x23: {  	s9 =	sor.u32 $0xD0000000, s2;
	s6 =	simm.s32 $0x108;
	_ =	swait.ge @!p0 [sflag:s8], $0x0  }
0x24: {  	s3 =	sadd.s32 $0x88, s3;
	s6 =	simm.s32 @!p1 $0x1082;
	[sflag:s4] =	ssyncset.s32 $0xFFFFF086  }
0x25: {  	[simem:s6], [sflag:s4] =	dma.local [hbm:s3], $0xF7A  }
0x26: {  	[smem:$0x3F98] =	sst s1;
	(tag) =	ssettag s2;
	_ =	strace s9  }
0x27: {  	s1 =	sld [smem:$0x3FA8]  }
0x28: {  	s2 =	sld [smem:$0x3FA9]  }
0x29: {  	s4 =	sld [smem:$0x3FAB]  }
0x2a: {  	p0 =	seq.s32 s5, $0x0;
	s5 =	sld [smem:$0x3FAC]  }
0x2b: {  	s6 =	sld [smem:$0x3FAD]  }
0x2c: {  	s7 =	sld [smem:$0x3FAE]  }
0x2d: {  	s3 =	simm.s32 $0x108;
	s8 =	sld [smem:$0x3FAF]  }
0x2e: {  	s3 =	simm.s32 @!p0 $0x1082;
	s9 =	sld [smem:$0x3FB0]  }
0x2f: {  	lr =	sadd.s32 s0, s3;
	s0 =	sld [smem:$0x3FA7]  }
0x30: {  	s3 =	sld [smem:$0x3FAA]  }
0x31: {  	[smem:$0x3FB3] =	sst s10  }
0x32: {  	s10 =	sld [smem:$0x3FB1];
	_ =	sdelay $0x3  }
0x33: {  	p0 =	seq.s32 s10, $0x1;
	s10 =	sld [smem:$0x3FB3];
	_ =	sdelay $0x3  }
0x34: {  	[smem:$0x3FB3] =	sst s10  }
0x35: {  	s10 =	sld [smem:$0x3FB2];
	_ =	sdelay $0x3  }
0x36: {  	p1 =	seq.s32 s10, $0x1;
	s10 =	sld [smem:$0x3FB3];
	_ =	sdelay $0x3  }
0x37: {  	[smem:$0x3FB3] =	sst s10  }
0x38: {  	s10 =	sld [smem:$0x3FB4]  }
0x39: {  	_ = 	snop;
	(pc) =	sbr.ind lr, $3  }
0x3a: {  	_ = 	snop  }
0x3b: {  	_ = 	snop  }
0x3c: {  	p2 =	seq.s32 s10, $0x1;
	s10 =	sld [smem:$0x3FB3]  }
0x3d: {  	_ =	shalt  }
0x3e: {  	_ =	shalt  }
0x3f: {  	_ =	shalt  }
0x40: {  	_ =	shalt  }
0x41: {  	_ =	shalt  }
0x42: {  	_ =	shalt  }
0x43: {  	_ =	shalt  }
0x44: {  	_ =	shalt  }
0x45: {  	_ =	shalt  }
0x46: {  	_ =	shalt  }
0x47: {  	_ =	shalt  }
0x48: {  	_ =	shalt  }
0x49: {  	_ =	shalt  }
0x4a: {  	_ =	shalt  }
0x4b: {  	_ =	shalt  }
0x4c: {  	_ =	shalt  }
0x4d: {  	_ =	shalt  }
0x4e: {  	_ =	shalt  }
0x4f: {  	_ =	shalt  }
0x50: {  	_ =	shalt  }
0x51: {  	_ =	shalt  }
0x52: {  	_ =	shalt  }
0x53: {  	_ =	shalt  }
0x54: {  	_ =	shalt  }
0x55: {  	_ =	shalt  }
0x56: {  	_ =	shalt  }
0x57: {  	_ =	shalt  }
0x58: {  	_ =	shalt  }
0x59: {  	_ =	shalt  }
0x5a: {  	_ =	shalt  }
0x5b: {  	_ =	shalt  }
0x5c: {  	_ =	shalt  }
0x5d: {  	_ =	shalt  }
0x5e: {  	_ =	shalt  }
0x5f: {  	_ =	shalt  }
0x60: {  	_ =	shalt  }
0x61: {  	_ =	shalt  }
0x62: {  	_ =	shalt  }
0x63: {  	_ =	shalt  }
0x64: {  	_ =	shalt  }
0x65: {  	_ =	shalt  }
0x66: {  	_ =	shalt  }
0x67: {  	_ =	shalt  }
0x68: {  	_ =	shalt  }
0x69: {  	_ =	shalt  }
0x6a: {  	_ =	shalt  }
0x6b: {  	_ =	shalt  }
0x6c: {  	_ =	shalt  }
0x6d: {  	_ =	shalt  }
0x6e: {  	_ =	shalt  }
0x6f: {  	_ =	shalt  }
0x70: {  	_ =	shalt  }
0x71: {  	_ =	shalt  }
0x72: {  	_ =	shalt  }
0x73: {  	_ =	shalt  }
0x74: {  	_ =	shalt  }
0x75: {  	_ =	shalt  }
0x76: {  	_ =	shalt  }
0x77: {  	_ =	shalt  }
0x78: {  	_ =	shalt  }
0x79: {  	_ =	shalt  }
0x7a: {  	_ =	shalt  }
0x7b: {  	_ =	shalt  }
0x7c: {  	_ =	shalt  }
0x7d: {  	_ =	shalt  }
0x7e: {  	_ =	shalt  }
0x7f: {  	_ =	shalt  }
0x80: {  	_ =	shalt  }
0x81: {  	_ =	shalt  }
0x82: {  	_ =	shalt  }
0x83: {  	_ =	shalt  }
0x84: {  	_ =	shalt  }
0x85: {  	_ =	shalt  }
0x86: {  	_ =	shalt  }
0x87: {  	_ =	shalt  }
.Lfunc_end0:
.L_simem_size_0:
called_computation_lowered:
.L_overlay_start_0:
0x88: {  	s2 =	sld [smem:$0x3FD9]  }
0x89: {  	s3 =	sld [smem:$0x3FFE];
	_ =	sdelay $0x1  }
0x8a: {  	s1 =	srdreg.scid  }
0x8b: {  	s0 =	sand.u32 $0x1, s1  }
0x8c: {  	s17 =	sshll.u32 s0, $0xA;
	s2 =	sadd.s32 s3, s2  }
0x8d: {  	s2 =	sadd.s32 s2, s17  }
0x8e: {  	[smem:$0x3FBF] =	sst s2  }
0x8f: {  	_ = 	snop  }
0x90: {  	s2 =	sld [smem:$0x3FC9]  }
0x91: {  	s18 =	sld [smem:$0x3FD0];
	(tm) =	ssettm $0x1  }
0x92: {  	s4 =	sld [smem:$0x3FFB];
	_ =	sdelay $0x3  }
0x93: {  	_ =	strace s4  }
0x94: {  	s4 =	sld [smem:$0x3FFC];
	_ =	sdelay $0x3  }
0x95: {  	_ =	strace s4  }
0x96: {  	s4 =	sld [smem:$0x3FFD];
	_ =	sdelay $0x3  }
0x97: {  	_ =	strace s4  }
0x98: {  	_ =	strace $0x8FFFFFFF  }
0x99: {  	s19 =	sld [smem:$0x3FDB];
	_ =	sdelay $0x1  }
0x9a: {  	s5 =	simm.s32 $_scs_section_size  }
0x9b: {  	s6 =	simm.s32 $_size__tile_overlayer_lowered;
	s7 =	simm.s32 $_tile_overlayer_lowered  }
0x9c: {  	s22 =	simm.s32 $0x1BFF;
	s21 =	sshll.u32 s7, $0x1;
	s4 =	sadd.s32 s5, s19  }
0x9d: {  	s8 =	simm.s32 $0x0;
	s20 =	sshll.u32 s6, $0x1;
	s6 =	sadd.s32 s21, s4  }
0x9e: {  	[timem:s8], [sflag:s22] =	dma.local [hbm:s6], s20  }
0x9f: {  	_ =	swait.ge [sflag:s22], s20  }
0xa0: {  	s5 =	ssub.s32 $0x0, s20;
	[sflag:s22] =	ssyncset.done $0x0  }
0xa1: {  	[sflag:s22] =	ssyncadd.s32 s5;
	_ =	sdelay $0x1  }
0xa2: {  	s23 =	simm.s32 $0x1B8B  }
0xa3: {  	_ =	swait.ge [sflag:s23], $0x1  }
0xa4: {  	[sflag:s23] =	ssyncset.done $0x0  }
0xa5: {  	s25 =	simm.s32 $0x1B8E;
	s24 =	sld [smem:$0x3FFE];
	[sflag:s23] =	ssyncadd.s32 $0xFFFFFFFF  }
0xa6: {  	s26 =	simm.s32 $execute0_lowered;
	[smem:$0x3FD2] =	sst s25  }
0xa7: {  	s6 =	sshll.u32 s26, $0x1;
	_ =	strace $0x80000046;
	[dreg:$0x1] =	wrdreg $0xFFFFFFFF  }
0xa8: {  	s28 =	simm.s32 $_size_execute0_lowered;
	s4 =	sadd.s32 s4, s6;
	[dreg:$0x0] =	wrdreg $0x0  }
0xa9: {  	s6 =	sshll.u32 s28, $0x1;
	[dreg:$0x2] =	wrdreg s4  }
0xaa: {  	[dreg:$0x3] =	wrdreg s6  }
0xab: {  	[dreg:$0x4] =	wrdreg $0xC0  }
0xac: {  	_ =	task [dreg:s8], $0x5FFFF  }
0xad: {  	[dreg:$0x1] =	wrdreg $0xFFFFFFFF  }
0xae: {  	[dreg:$0x0] =	wrdreg $0x60  }
0xaf: {  	[dreg:$0x2] =	wrdreg s2  }
0xb0: {  	[dreg:$0x3] =	wrdreg s24  }
0xb1: {  	[dreg:$0x4] =	wrdreg s18  }
0xb2: {  	[dreg:$0x5] =	wrdreg $0xC0000  }
0xb3: {  	[dreg:$0x6] =	wrdreg $0x9  }
0xb4: {  	_ =	task.clear_ibuf [dreg:s8], $0x7FFFF;
	_ =	strace $0x90000046  }
0xb5: {  	s29 =	simm.s32 $0x9;
	_ =	strace $0x80000048  }
0xb6: {  	_ =	swait.ge [sflag:s29], $0x1  }
0xb7: {  	[sflag:s29] =	ssyncadd.s32 $0xFFFFFFFF  }
0xb8: {  	_ =	strace $0x90000048  }
0xb9: {  	_ =	sfence  }
0xba: {  	s30 =	sld [smem:$0x0];
	_ =	sdelay $0x2  }
0xbb: {  	s31 =	sshll.u32 s1, $0xD;
	s1 =	sshrl.u32 s1, $0x2  }
0xbc: {  	s3 =	sand.u32 $0x4000, s31;
	s1 =	sadd.s32 s1, s30  }
0xbd: {  	s0 =	sor.u32 s3, s0;
	s1 =	sshll.u32 s1, $0x11  }
0xbe: {  	s0 =	sor.u32 s1, s0  }
0xbf: {  	s0 =	sadd.s32 $0x8F2B, s0  }
0xc0: {  	[sflag:s0] =	ssyncadd.remote.s32 $0x1  }
0xc1: {  	_ =	sfence.sel $0xFFFF  }
0xc2: {  	[dreg:$0x0] =	wrdreg $0xFFFFFFFF;
	(pc) =	sbr.abs _section_cstart, $3  }
0xc3: {  	[dreg:$0x1] =	wrdreg $0xFFFFFFFF  }
0xc4: {  	_ =	task.clear_ibuf [dreg:s8], $0x2FFFF;
	_ =	strace $0x9FFFFFFF  }
0xc5: {  	(tm) =	ssettm $0x7FFFFFFF  }
tec
execute0_lowered:
.L_overlay_start_1:
0x0: {  	(tag) =	ssettag $0x1  }
0x1: {  	s1 =	rddreg [dreg:$0x0]  }
0x2: {  	s5 =	rddreg [dreg:$0x1]  }
0x3: {  	s12 =	rddreg [dreg:$0x2]  }
0x4: {  	s3 =	rddreg [dreg:$0x3]  }
0x5: {  	s0 =	rddreg [dreg:$0x4]  }
0x6: {  	s2 =	stileid.u32;
	s6 =	srdreg.scid;
	s4 =	simm.s32 $0x0  }
0x7: {  	s18 =	simm.s32 $0x1;
	s19 =	simm.s32 $0x0;
	s7 =	smul.u32 $0x13C00, s2  }
0x8: {  	s15 =	sand.u32 $0x1, s6;
	[smem:$0x7FF] =	sst s4;
	s11 =	sadd.s32 $0x1600, s5  }
0x9: {  	s10 =	smul.u32 $0x4F000, s2;
	s29 =	sshll.u32 s2, $0x6;
	s30 =	sshll.u32 s2, $0x9  }
0xa: {  	s17 =	sshll.u32 s2, $0xB;
	s6 =	smul.u32 $0x13C000, s15;
	_ =	strace $0x80000047  }
0xb: {  	s26 =	ssub.s32 $0x2, s15;
	p0 =	seq.s32 s15, $0x0;
	s31 =	sor.u32 $0x8000, s30  }
0xc: {  	s8 =	sshrl.u32 s7, $0x3;
	s9 =	sshrl.u32 s26, $0x1;
	s28 =	sshrl.u32 s10, $0x2  }
0xd: {  	s10 =	sadd.s32 s12, s31;
	s12 =	sadd.s32 s12, s17;
	s6 =	sadd.s32 s7, s6  }
0xe: {  	s8 =	sadd.s32 s8, s5;
	s14 =	ssub.s32 s26, s9;
	s16 =	sadd.s32 s28, s3  }
0xf: {  	s9 =	sadd.s32 s11, s31;
	s11 =	sadd.s32 s11, s17;
	s17 =	simm.s32 $0x8000  }
0x10: {  	s6 =	sshrl.u32 s6, $0x3;
	s7 =	sadd.s32 $0xB600, s8;
	s8 =	sor.u32 $0x1C02, s29  }
0x11: {  	s14 =	smax.u32 s14, $0x1;
	s13 =	sadd.s32 s6, s5;
	s5 =	simm.s32 $0x80  }
0x12: {  	s6 =	simm.s32 $0x80;
	s5 =	simm.s32 @!p0 $0x20;
	s13 =	sadd.s32 $0x32E00, s13  }
0x13: {  	p0 =	sne.s32 s15, $0x0;
	s15 =	sshrl.u32 s16, $0x3;
	s16 =	simm.s32 $0x2  }
.LBB2_1:
0x14: {  	[spmem:s15], [sflag:s8] =	dma.local [hbm:s7], $0x2780  }
0x15: {  	_ =	swait.ge [sflag:s16], $0x2780  }
0x16: {  	[sflag:s16] =	ssyncset.done $0x0  }
0x17: {  	s20 =	simm.s32 @p0 $0x0;
	s21 =	simm.s32 @p0 $0x2;
	[sflag:s16] =	ssyncadd.s32 $0xFFFFD880  }
0x18: {  	[tilespmem:s20], [sflag:$0x2] =	stream.linear.gather @p0 [hbm4b:s9+s20], $0x1000, $0x38;
	[tilespmem:$0x1FC00] =	vst v63  }
0x19: {  	_ =	swait.ge @p0 [sflag:s21], $0x1000  }
0x1a: {  	[sflag:s21] =	ssyncset.done @p0 $0x0  }
0x1b: {  	s22 =	simm.s32 @p0 $0x4000;
	[sflag:s21] =	ssyncadd.s32 @p0 $0xFFFFF000  }
0x1c: {  	[tilespmem:s22], [sflag:$0x2] =	stream.linear.gather @p0 [hbm4b:s10+s20], $0x1000, $0x38;
	[tilespmem:$0x1FC00] =	vst v63  }
0x1d: {  	_ =	swait.ge @p0 [sflag:s21], $0x1000  }
0x1e: {  	[sflag:s21] =	ssyncset.done @p0 $0x0  }
0x1f: {  	s20 =	simm.s32 @!p0 $0x0;
	[sflag:s21] =	ssyncadd.s32 @p0 $0xFFFFF000;
	s21 =	simm.s32 @!p0 $0x2  }
0x20: {  	[tilespmem:s20], [sflag:$0x2] =	stream.linear.gather @!p0 [hbm4b:s11+s20], $0x4000, $0x38;
	[tilespmem:$0x1FC00] =	vst v63  }
0x21: {  	_ =	swait.ge @!p0 [sflag:s21], $0x4000  }
0x22: {  	[sflag:s21] =	ssyncset.done @!p0 $0x0  }
0x23: {  	s22 =	simm.s32 @!p0 $0x4000;
	[sflag:s21] =	ssyncadd.s32 @!p0 $0xFFFFC000  }
0x24: {  	[tilespmem:s22], [sflag:$0x2] =	stream.linear.gather @!p0 [hbm4b:s12+s20], $0x4000, $0x38;
	[tilespmem:$0x1FC00] =	vst v63  }
0x25: {  	_ =	swait.ge @!p0 [sflag:s21], $0x4000  }
0x26: {  	[sflag:s21] =	ssyncset.done @!p0 $0x0  }
0x27: {  	[sflag:s21] =	ssyncadd.s32 @!p0 $0xFFFFC000  }
0x28: {  	[bflag:$0x0] =	sbarrier.arrive $0xFFFF  }
0x29: {  	[tilespmem:s17], [sflag:$0x1] =	stream.indirect.gather [hbm4b:s1+s6], $0x80, s4, s6, $0xb8;
	[tilespmem:$0x1FC00] =	vst v63  }
0x2a: {  	p1 =	sne.s32 s5, $0x1;
	_ =	swait.ge [sflag:s18], $0x4000  }
.Ltmp0:
0x2b: {  	[sflag:s18] =	ssyncset.done $0x0;
	(pc) =	sbr.rel @!p1 .LBB2_3-.Ltmp0, $4  }
0x2c: {  	s20 =	simm.s32 $0x4000;
	[sflag:s18] =	ssyncadd.s32 $0xFFFFC000  }
0x2d: {  	[spmem:s3] =	stream.indirect.scatter.add.f32 [tilespmem:s17], [sflag:$0x2], $0x80, s20, s6, $0xb8;
	[tilespmem:$0x1FC00] =	vst v63  }
0x2e: {  	_ =	swait.ge [sflag:s16], $0x4000  }
0x2f: {  	s22 =	simm.s32 $0x0;
	s21 =	sadd.s32 $0xFFFFFFFF, s5;
	[sflag:s16] =	ssyncset.done $0x0  }
.LBB2_2:
0x30: {  	[sflag:s16] =	ssyncadd.s32 $0xFFFFC000;
	s22 =	sadd.s32 $0x80, s22;
	s20 =	sadd.s32 $0x80, s20  }
0x31: {  	[tilespmem:s17], [sflag:$0x1] =	stream.indirect.gather [hbm4b:s1+s6], $0x80, s22, s6, $0xb8;
	[tilespmem:$0x1FC00] =	vst v63  }
0x32: {  	p1 =	sne.s32 s21, $0x1;
	s21 =	sadd.s32 $0xFFFFFFFF, s21;
	_ =	swait.ge [sflag:s18], $0x4000  }
.Ltmp1:
0x33: {  	[sflag:s18] =	ssyncset.done $0x0;
	(pc) =	sbr.rel @p1 .LBB2_2-.Ltmp1, $4  }
0x34: {  	[sflag:s18] =	ssyncadd.s32 $0xFFFFC000  }
0x35: {  	[spmem:s3] =	stream.indirect.scatter.add.f32 [tilespmem:s17], [sflag:$0x2], $0x80, s20, s6, $0xb8;
	[tilespmem:$0x1FC00] =	vst v63  }
0x36: {  	_ =	swait.ge [sflag:s16], $0x4000  }
0x37: {  	[sflag:s16] =	ssyncset.done $0x0  }
.LBB2_3:
0x38: {  	s19 =	sadd.s32 $0x1, s19  }
0x39: {  	[sflag:s16] =	ssyncadd.s32 $0xFFFFC000;
	p1 =	sne.s32 s19, s14  }
.Ltmp2:
0x3a: {  	[bflag:$0x0] =	sbarrier.arrive $0xFFFF;
	(pc) =	sbr.rel @p1 .LBB2_1-.Ltmp2, $4  }
0x3b: {  	[hbm:s13], [sflag:s8] =	dma.local [spmem:s15], $0x2780  }
0x3c: {  	_ =	swait.ge [sflag:s16], $0x2780  }
0x3d: {  	[sflag:s16] =	ssyncset.done $0x0  }
0x3e: {  	[sflag:s16] =	ssyncadd.s32 $0xFFFFD880  }
0x3f: {  	_ =	sfence.sel $0x180000  }
0x40: {  	[bflag:$0x0] =	sbarrier.arrive $0xFFFF  }
0x41: {  	p0 =	sne.s32 s2, $0x0;
	_ =	strace $0x90000047  }
0x42: {  	s0 =	sadd.s32 @!p0 $0x100000, s0;
	[bflag:$0x2] =	sbarrier.arrive $0xFFFF  }
0x43: {  	[sflag:s0] =	ssyncadd.tile.s32 @!p0 $0x1;
	_ =	shalt  }
.Lfunc_end2:
_tile_overlayer_lowered:
.L_overlay_start_2:
0x44: {  	(tag) =	ssettag $0x2  }
0x45: {  	s0 =	rddreg [dreg:$0x0];
	s2 =	stileid.u32  }
0x46: {  	s1 =	rddreg [dreg:$0x1];
	p0 =	sne.s32 s2, $0x0  }
0x47: {  	s3 =	rddreg [dreg:$0x2];
	[bflag:$0x3] =	sbarrier.arrive $0xFFFF;
	s2 =	simm.s32 @!p0 $0x1C02  }
0x48: {  	[timem:s3], [sflag:s2] =	dma.local @!p0 [hbm:s0], s1  }
0x49: {  	s0 =	simm.s32 @!p0 $0x2  }
0x4a: {  	_ =	swait.ge @!p0 [sflag:s0], s1  }
0x4b: {  	s1 =	ssub.s32 @!p0 $0x0, s1;
	[sflag:s0] =	ssyncset.done @!p0 $0x0  }
0x4c: {  	[sflag:s0] =	ssyncadd.s32 @!p0 s1  }
0x4d: {  	[bflag:$0x3] =	sbarrier.arrive $0xFFFF  }
0x4e: {  	_ =	shalt  }

</sc_bundles>
